<compile_context>
chip_gen: v7x
topology: tpu7x:2x2x1
jax: 0.10.2.dev20260603
libtpu: 0.0.44.dev20260713+nightly
codegen_flags: <defaults>
</compile_context>

<pallas_src>
import functools

import numpy as np
import jax
import jax.numpy as jnp
from jax import lax
from jax.experimental import pallas as pl
from jax.experimental.pallas import tpu as pltpu
from jax.experimental.pallas import tpu_sc as plsc

D_MODEL = 64
MAX_POS = 128
SCALE = 8.0

NUM_CORES = 2
NUM_SUBCORES = 16
NUM_WORKERS = NUM_CORES * NUM_SUBCORES
CHUNK = 128


def _pos_encoding_np():
    position = np.arange(MAX_POS)[:, np.newaxis]
    k = np.arange(D_MODEL)[np.newaxis, :]
    i = k // 2
    angle_rates = 1 / np.power(10000, 2 * i / np.float32(D_MODEL))
    angle_rads = position * angle_rates
    angle_rads[:, 0::2] = np.sin(angle_rads[:, 0::2])
    angle_rads[:, 1::2] = np.cos(angle_rads[:, 1::2])
    return angle_rads.astype(np.float32)


_POS = _pos_encoding_np()


@functools.partial(jax.jit, static_argnames=("n_rows",))
def _sc_embed(xf, pos, table, *, n_rows):
    rows_per_w = n_rows // NUM_WORKERS
    n_chunks = rows_per_w // CHUNK

    mesh = plsc.VectorSubcoreMesh(core_axis_name="c", subcore_axis_name="s")

    @functools.partial(
        pl.kernel,
        mesh=mesh,
        compiler_params=pltpu.CompilerParams(
            use_tc_tiling_on_sc=False, needs_layout_passes=False),
        out_type=jax.ShapeDtypeStruct((n_rows, D_MODEL), jnp.float32),
        scratch_types=[
            pltpu.VMEM((CHUNK,), jnp.int32),
            pltpu.VMEM((CHUNK, D_MODEL), jnp.float32),
            pltpu.VMEM((MAX_POS, D_MODEL), jnp.float32),
            pltpu.SemaphoreType.DMA,
        ],
    )
    def k(x_hbm, pos_hbm, table_hbm, out_hbm, idx_v, rows_v, pos_v, sem):
        wid = lax.axis_index("s") * NUM_CORES + lax.axis_index("c")
        w_base = wid * rows_per_w
        pltpu.sync_copy(pos_hbm, pos_v)

        def chunk_body(ci, carry):
            base = w_base + ci * CHUNK
            pltpu.sync_copy(x_hbm.at[pl.ds(base, CHUNK)], idx_v)
            pltpu.async_copy(table_hbm.at[idx_v], rows_v, sem).wait()

            @plsc.parallel_loop(0, CHUNK, unroll=4)
            def _(r):
                for c in range(D_MODEL // 16):
                    sl = pl.ds(c * 16, 16)
                    rows_v[r, sl] = rows_v[r, sl] * SCALE + pos_v[r, sl]
            pltpu.sync_copy(rows_v, out_hbm.at[pl.ds(base, CHUNK)])
            return carry

        lax.fori_loop(0, n_chunks, chunk_body, 0, unroll=False)

    return k(xf, pos, table)


def kernel(x, table):
    b, s = x.shape
    n_rows = b * s
    xf = x.reshape(n_rows)
    pos = jnp.asarray(_POS)
    out = _sc_embed(xf, pos, table, n_rows=n_rows)
    return out.reshape(b, s, D_MODEL)

# --- scband reference (transcript-rebuilt; emitter-appended) ---
"""Pipeline reference for scband-positional-embedding-88132728913920 (READ-ONLY COPY).

The authoritative reference and input builder live on the scoring server;
editing this copy changes nothing except your own understanding.
"""

import jax, jax.numpy as jnp
import numpy as np

VOCAB_SIZE = 1000000
D_MODEL = 64
MAX_POS = 128

def positional_encoding(positions, d_model):
    position = np.arange(positions)[:, np.newaxis]
    k = np.arange(d_model)[np.newaxis, :]
    i = k // 2
    angle_rates = 1 / np.power(10000, 2 * i / np.float32(d_model))
    angle_rads = position * angle_rates
    angle_rads[:, 0::2] = np.sin(angle_rads[:, 0::2])
    angle_rads[:, 1::2] = np.cos(angle_rads[:, 1::2])
    pos_encoding = angle_rads[np.newaxis, ...]
    return jnp.asarray(pos_encoding, dtype=jnp.float32)

def setup_inputs(seed: int = 0) -> dict:
    key = jax.random.key(seed)
    k1, k2 = jax.random.split(key)
    x = jax.random.randint(k1, (4096, 128), 0, VOCAB_SIZE, dtype=jnp.int64 if jax.config.jax_enable_x64 else jnp.int32).astype(jnp.int32)
    table = jax.random.normal(k2, (VOCAB_SIZE, D_MODEL), dtype=jnp.float32) * 0.02
    return {"x": x, "table": table}

def reference(x, table):
    length = x.shape[1]
    pos_encoding = positional_encoding(MAX_POS, D_MODEL)
    emb = jnp.take(table, x, axis=0)
    emb = emb * jnp.sqrt(jnp.asarray(D_MODEL, dtype=jnp.float32))
    emb = emb + pos_encoding[:, :length, :]
    return emb

if __name__ == "__main__":
    import jax
    _d = setup_inputs()
    print(jax.jit(kernel)(*tuple(_d.values())))

</pallas_src>

<mosaic_0001>
#map = affine_map<(d0, d1) -> (0)>
#map1 = affine_map<(d0, d1) -> (0, 0)>
module attributes {stable_mosaic.version = 14 : i64} {
  func.func @k(%arg0: i32, %arg1: i32, %arg2: memref<524288xi32, #tpu.memory_space<hbm>>, %arg3: memref<128x64xf32, #tpu.memory_space<hbm>>, %arg4: memref<1000000x64xf32, #tpu.memory_space<hbm>>, %arg5: memref<524288x64xf32, #tpu.memory_space<hbm>>, %arg6: memref<128xi32, #tpu.memory_space<vmem>>, %arg7: memref<128x64xf32, #tpu.memory_space<vmem>>, %arg8: memref<128x64xf32, #tpu.memory_space<vmem>>, %arg9: memref<!tpu.dma_semaphore, #tpu.memory_space<semaphore_mem>>) attributes {dimension_semantics = [#tpu.dimension_semantics<core_parallel>, #tpu.dimension_semantics<subcore_parallel>], iteration_bounds = array<i64: 2, 16>, scalar_prefetch = 0 : i64, scratch_operands = 4 : i64, tpu.core_type = #tpu.core_type<sc_vector_subcore>, window_params = [{transform_indices = #map}, {transform_indices = #map1}, {transform_indices = #map1}, {transform_indices = #map1}]} {
    %mul3A = arith.constant 2 : i32
    %mul3A_0 = arith.muli %arg1, %mul3A : i32
    %add3A = arith.addi %mul3A_0, %arg0 : i32
    %mul3A_1 = arith.constant 16384 : i32
    %mul3A_2 = arith.muli %add3A, %mul3A_1 : i32
    "tpu.region"() ({
      %run_scoped3A = tpu.sem_alloc : memref<!tpu.dma_semaphore, #tpu.memory_space<semaphore_mem>>
      tpu.enqueue_dma source(%arg3 : memref<128x64xf32, #tpu.memory_space<hbm>>) target(%arg8 : memref<128x64xf32, #tpu.memory_space<vmem>>) target_semaphore(%run_scoped3A : memref<!tpu.dma_semaphore, #tpu.memory_space<semaphore_mem>>)
      tpu.wait_dma2 semaphore(%run_scoped3A : memref<!tpu.dma_semaphore, #tpu.memory_space<semaphore_mem>>) src(%arg3 : memref<128x64xf32, #tpu.memory_space<hbm>>) dst(%arg8 : memref<128x64xf32, #tpu.memory_space<vmem>>)
      tpu.yield
    }) : () -> ()
    %scan3A = arith.constant 0 : i32
    %scan3A_3 = arith.constant 0 : i32
    %scan3A_4 = arith.constant 128 : i32
    %scan3A_5 = arith.addi %scan3A_3, %scan3A_4 : i32
    %scan3A_6 = arith.constant 1 : i32
    scf.for %scan3A_8 = %scan3A_3 to %scan3A_5 step %scan3A_6  : i32 {
      %mul3A_9 = arith.constant 128 : i32
      %mul3A_10 = arith.muli %scan3A_8, %mul3A_9 : i32
      %add3A_11 = arith.addi %mul3A_2, %mul3A_10 : i32
      "tpu.region"() ({
        %run_scoped3A = tpu.sem_alloc : memref<!tpu.dma_semaphore, #tpu.memory_space<semaphore_mem>>
        %dma_start3A_18 = tpu.memref_slice %arg2[%add3A_11] : memref<524288xi32, #tpu.memory_space<hbm>> -> memref<128xi32, #tpu.memory_space<hbm>>
        %dma_start3A_19 = tpu.memref_slice %arg2[%add3A_11] : memref<524288xi32, #tpu.memory_space<hbm>> -> memref<128xi32, #tpu.memory_space<hbm>>
        tpu.enqueue_dma source(%dma_start3A_19 : memref<128xi32, #tpu.memory_space<hbm>>) target(%arg6 : memref<128xi32, #tpu.memory_space<vmem>>) target_semaphore(%run_scoped3A : memref<!tpu.dma_semaphore, #tpu.memory_space<semaphore_mem>>)
        %dma_wait3A_20 = tpu.memref_slice %arg2[%add3A_11] : memref<524288xi32, #tpu.memory_space<hbm>> -> memref<128xi32, #tpu.memory_space<hbm>>
        %dma_wait3A_21 = tpu.memref_slice %arg2[%add3A_11] : memref<524288xi32, #tpu.memory_space<hbm>> -> memref<128xi32, #tpu.memory_space<hbm>>
        tpu.wait_dma2 semaphore(%run_scoped3A : memref<!tpu.dma_semaphore, #tpu.memory_space<semaphore_mem>>) src(%dma_wait3A_21 : memref<128xi32, #tpu.memory_space<hbm>>) dst(%arg6 : memref<128xi32, #tpu.memory_space<vmem>>)
        tpu.yield
      }) : () -> ()
      %dma_start3A = arith.constant 0 : i32
      %dma_start3A_12 = arith.constant 0 : i32
      %dma_start3A_13 = tpu.memref_slice %arg4[%dma_start3A, %dma_start3A_12] : memref<1000000x64xf32, #tpu.memory_space<hbm>> -> memref<1000000x64xf32, #tpu.memory_space<hbm>>
      tpu.enqueue_indirect_dma source(%dma_start3A_13 : memref<1000000x64xf32, #tpu.memory_space<hbm>>) target(%arg7 : memref<128x64xf32, #tpu.memory_space<vmem>>) offsets(%arg6 : memref<128xi32, #tpu.memory_space<vmem>>) semaphore(%arg9 : memref<!tpu.dma_semaphore, #tpu.memory_space<semaphore_mem>>)
      %dma_wait3A = arith.constant 0 : i32
      %dma_wait3A_14 = arith.constant 0 : i32
      %dma_wait3A_15 = tpu.memref_slice %arg4[%dma_wait3A, %dma_wait3A_14] : memref<1000000x64xf32, #tpu.memory_space<hbm>> -> memref<1000000x64xf32, #tpu.memory_space<hbm>>
      tpu.wait_indirect_dma semaphore(%arg9 : memref<!tpu.dma_semaphore, #tpu.memory_space<semaphore_mem>>) src(%dma_wait3A_15 : memref<1000000x64xf32, #tpu.memory_space<hbm>>) dst(%arg7 : memref<128x64xf32, #tpu.memory_space<vmem>>)
      %parallel_loop3A = arith.constant 0 : i32
      %parallel_loop3A_16 = arith.constant 128 : i32
      %parallel_loop3A_17 = arith.constant 1 : i32
      scf.for %parallel_loop3A_18 = %parallel_loop3A to %parallel_loop3A_16 step %parallel_loop3A_17  : i32 {
        %parallel_loop3A_19 = arith.index_cast %parallel_loop3A_18 : i32 to index
        %parallel_loop3A_20 = arith.constant 0 : index
        %parallel_loop3A_21 = tpu.vector_load %arg7[%parallel_loop3A_19, %parallel_loop3A_20] {strides = array<i32>} : memref<128x64xf32, #tpu.memory_space<vmem>>, vector<16xf32>,
        %parallel_loop3A_22 = arith.constant 8.000000e+00 : f32
        %parallel_loop3A_23 = vector.broadcast %parallel_loop3A_22 : f32 to vector<16xf32>
        %parallel_loop3A_24 = arith.mulf %parallel_loop3A_21, %parallel_loop3A_23 : vector<16xf32>
        %parallel_loop3A_25 = arith.index_cast %parallel_loop3A_18 : i32 to index
        %parallel_loop3A_26 = arith.constant 0 : index
        %parallel_loop3A_27 = tpu.vector_load %arg8[%parallel_loop3A_25, %parallel_loop3A_26] {strides = array<i32>} : memref<128x64xf32, #tpu.memory_space<vmem>>, vector<16xf32>,
        %parallel_loop3A_28 = arith.addf %parallel_loop3A_24, %parallel_loop3A_27 : vector<16xf32>
        %parallel_loop3A_29 = arith.index_cast %parallel_loop3A_18 : i32 to index
        %parallel_loop3A_30 = arith.constant 0 : index
        %parallel_loop3A_31 = tpu.vector_load %arg7[%parallel_loop3A_29, %parallel_loop3A_30] {strides = array<i32>} : memref<128x64xf32, #tpu.memory_space<vmem>>, vector<16xf32>,
        tpu.vector_store %arg7[%parallel_loop3A_29, %parallel_loop3A_30], %parallel_loop3A_28 {strides = array<i32>} : memref<128x64xf32, #tpu.memory_space<vmem>>, vector<16xf32>,
        %parallel_loop3A_32 = arith.index_cast %parallel_loop3A_18 : i32 to index
        %parallel_loop3A_33 = arith.constant 16 : index
        %parallel_loop3A_34 = tpu.vector_load %arg7[%parallel_loop3A_32, %parallel_loop3A_33] {strides = array<i32>} : memref<128x64xf32, #tpu.memory_space<vmem>>, vector<16xf32>,
        %parallel_loop3A_35 = arith.constant 8.000000e+00 : f32
        %parallel_loop3A_36 = vector.broadcast %parallel_loop3A_35 : f32 to vector<16xf32>
        %parallel_loop3A_37 = arith.mulf %parallel_loop3A_34, %parallel_loop3A_36 : vector<16xf32>
        %parallel_loop3A_38 = arith.index_cast %parallel_loop3A_18 : i32 to index
        %parallel_loop3A_39 = arith.constant 16 : index
        %parallel_loop3A_40 = tpu.vector_load %arg8[%parallel_loop3A_38, %parallel_loop3A_39] {strides = array<i32>} : memref<128x64xf32, #tpu.memory_space<vmem>>, vector<16xf32>,
        %parallel_loop3A_41 = arith.addf %parallel_loop3A_37, %parallel_loop3A_40 : vector<16xf32>
        %parallel_loop3A_42 = arith.index_cast %parallel_loop3A_18 : i32 to index
        %parallel_loop3A_43 = arith.constant 16 : index
        %parallel_loop3A_44 = tpu.vector_load %arg7[%parallel_loop3A_42, %parallel_loop3A_43] {strides = array<i32>} : memref<128x64xf32, #tpu.memory_space<vmem>>, vector<16xf32>,
        tpu.vector_store %arg7[%parallel_loop3A_42, %parallel_loop3A_43], %parallel_loop3A_41 {strides = array<i32>} : memref<128x64xf32, #tpu.memory_space<vmem>>, vector<16xf32>,
        %parallel_loop3A_45 = arith.index_cast %parallel_loop3A_18 : i32 to index
        %parallel_loop3A_46 = arith.constant 32 : index
        %parallel_loop3A_47 = tpu.vector_load %arg7[%parallel_loop3A_45, %parallel_loop3A_46] {strides = array<i32>} : memref<128x64xf32, #tpu.memory_space<vmem>>, vector<16xf32>,
        %parallel_loop3A_48 = arith.constant 8.000000e+00 : f32
        %parallel_loop3A_49 = vector.broadcast %parallel_loop3A_48 : f32 to vector<16xf32>
        %parallel_loop3A_50 = arith.mulf %parallel_loop3A_47, %parallel_loop3A_49 : vector<16xf32>
        %parallel_loop3A_51 = arith.index_cast %parallel_loop3A_18 : i32 to index
        %parallel_loop3A_52 = arith.constant 32 : index
        %parallel_loop3A_53 = tpu.vector_load %arg8[%parallel_loop3A_51, %parallel_loop3A_52] {strides = array<i32>} : memref<128x64xf32, #tpu.memory_space<vmem>>, vector<16xf32>,
        %parallel_loop3A_54 = arith.addf %parallel_loop3A_50, %parallel_loop3A_53 : vector<16xf32>
        %parallel_loop3A_55 = arith.index_cast %parallel_loop3A_18 : i32 to index
        %parallel_loop3A_56 = arith.constant 32 : index
        %parallel_loop3A_57 = tpu.vector_load %arg7[%parallel_loop3A_55, %parallel_loop3A_56] {strides = array<i32>} : memref<128x64xf32, #tpu.memory_space<vmem>>, vector<16xf32>,
        tpu.vector_store %arg7[%parallel_loop3A_55, %parallel_loop3A_56], %parallel_loop3A_54 {strides = array<i32>} : memref<128x64xf32, #tpu.memory_space<vmem>>, vector<16xf32>,
        %parallel_loop3A_58 = arith.index_cast %parallel_loop3A_18 : i32 to index
        %parallel_loop3A_59 = arith.constant 48 : index
        %parallel_loop3A_60 = tpu.vector_load %arg7[%parallel_loop3A_58, %parallel_loop3A_59] {strides = array<i32>} : memref<128x64xf32, #tpu.memory_space<vmem>>, vector<16xf32>,
        %parallel_loop3A_61 = arith.constant 8.000000e+00 : f32
        %parallel_loop3A_62 = vector.broadcast %parallel_loop3A_61 : f32 to vector<16xf32>
        %parallel_loop3A_63 = arith.mulf %parallel_loop3A_60, %parallel_loop3A_62 : vector<16xf32>
        %parallel_loop3A_64 = arith.index_cast %parallel_loop3A_18 : i32 to index
        %parallel_loop3A_65 = arith.constant 48 : index
        %parallel_loop3A_66 = tpu.vector_load %arg8[%parallel_loop3A_64, %parallel_loop3A_65] {strides = array<i32>} : memref<128x64xf32, #tpu.memory_space<vmem>>, vector<16xf32>,
        %parallel_loop3A_67 = arith.addf %parallel_loop3A_63, %parallel_loop3A_66 : vector<16xf32>
        %parallel_loop3A_68 = arith.index_cast %parallel_loop3A_18 : i32 to index
        %parallel_loop3A_69 = arith.constant 48 : index
        %parallel_loop3A_70 = tpu.vector_load %arg7[%parallel_loop3A_68, %parallel_loop3A_69] {strides = array<i32>} : memref<128x64xf32, #tpu.memory_space<vmem>>, vector<16xf32>,
        tpu.vector_store %arg7[%parallel_loop3A_68, %parallel_loop3A_69], %parallel_loop3A_67 {strides = array<i32>} : memref<128x64xf32, #tpu.memory_space<vmem>>, vector<16xf32>,
      } {sc.loop_unroll_factor = 4 : i64, sc.parallel_access}
      "tpu.region"() ({
        %run_scoped3A = tpu.sem_alloc : memref<!tpu.dma_semaphore, #tpu.memory_space<semaphore_mem>>
        %dma_start3A_18 = arith.constant 0 : i32
        %dma_start3A_19 = tpu.memref_slice %arg5[%add3A_11, %dma_start3A_18] : memref<524288x64xf32, #tpu.memory_space<hbm>> -> memref<128x64xf32, #tpu.memory_space<hbm>>
        %dma_start3A_20 = arith.constant 0 : i32
        %dma_start3A_21 = tpu.memref_slice %arg5[%add3A_11, %dma_start3A_20] : memref<524288x64xf32, #tpu.memory_space<hbm>> -> memref<128x64xf32, #tpu.memory_space<hbm>>
        tpu.enqueue_dma source(%arg7 : memref<128x64xf32, #tpu.memory_space<vmem>>) target(%dma_start3A_21 : memref<128x64xf32, #tpu.memory_space<hbm>>) target_semaphore(%run_scoped3A : memref<!tpu.dma_semaphore, #tpu.memory_space<semaphore_mem>>)
        %dma_wait3A_22 = arith.constant 0 : i32
        %dma_wait3A_23 = tpu.memref_slice %arg5[%add3A_11, %dma_wait3A_22] : memref<524288x64xf32, #tpu.memory_space<hbm>> -> memref<128x64xf32, #tpu.memory_space<hbm>>
        %dma_wait3A_24 = arith.constant 0 : i32
        %dma_wait3A_25 = tpu.memref_slice %arg5[%add3A_11, %dma_wait3A_24] : memref<524288x64xf32, #tpu.memory_space<hbm>> -> memref<128x64xf32, #tpu.memory_space<hbm>>
        tpu.wait_dma2 semaphore(%run_scoped3A : memref<!tpu.dma_semaphore, #tpu.memory_space<semaphore_mem>>) src(%arg7 : memref<128x64xf32, #tpu.memory_space<vmem>>) dst(%dma_wait3A_25 : memref<128x64xf32, #tpu.memory_space<hbm>>)
        tpu.yield
      }) : () -> ()
    }
    %scan3A_7 = arith.constant 128 : i32
    return
  }
}

</mosaic_0001>

<sc_bundles>
// kernel: _sc_embed.3.cloned.1.call-start
scs
__scs_entry_jumppad:
0x0: {  	(pc) =	sbr.rel $0x88, $3  }
0x1: {  	(tag) =	ssettag $0x0;
	lr =	simm.s32 $0x1  }
0x2: {  	[smem:$0x3F9E] =	sst lr;
	_ =	strace $0xD0000000  }
0x3: {  	_ = 	snop  }
0x4: {  	_ = 	snop  }
0x5: {  	_ = 	snop  }
0x6: {  	_ = 	snop  }
0x7: {  	_ = 	snop  }
__scs_overlays_trampoline_lowered:
0x8: {  	[smem:$0x3FAD] =	sst s0  }
0x9: {  	[smem:$0x3FAE] =	sst s1  }
0xa: {  	[smem:$0x3FAF] =	sst s2  }
0xb: {  	[smem:$0x3FB0] =	sst s3  }
0xc: {  	[smem:$0x3FB1] =	sst s4  }
0xd: {  	[smem:$0x3FB2] =	sst s5  }
0xe: {  	[smem:$0x3FB3] =	sst s6  }
0xf: {  	[smem:$0x3FB4] =	sst s7  }
0x10: {  	[smem:$0x3FB5] =	sst s8  }
0x11: {  	[smem:$0x3FB6] =	sst s9;
	s0 =	simm.s32 @!p0 $0x0  }
0x12: {  	s1 =	sld [smem:$0x3F9C];
	s0 =	simm.s32 @p0 $0x1  }
0x13: {  	[smem:$0x3FB7] =	sst s0;
	s0 =	simm.s32 @!p1 $0x0  }
0x14: {  	s2 =	sld [smem:$0x3F9B];
	s0 =	simm.s32 @p1 $0x1  }
0x15: {  	[smem:$0x3FB8] =	sst s0;
	s0 =	simm.s32 @!p2 $0x0  }
0x16: {  	s3 =	sld [smem:$0x3FDB];
	s0 =	simm.s32 @p2 $0x1  }
0x17: {  	s4 =	simm.s32 $0x1BF5;
	[smem:$0x3FBA] =	sst s0  }
0x18: {  	s0 =	sld [smem:$0x3F9D];
	_ =	swait.ge [sflag:s4], $0x0  }
0x19: {  	s7 =	sld [smem:$0x3F9E]  }
0x1a: {  	s8 =	sadd.s32 $0xFFFFE003, lr  }
0x1b: {  	s9 =	sadd.s32 $0xFFFFFEF7, lr;
	s5 =	simm.s32 $0xFFFFFFFF;
	p2 =	slt.u32 s8, $0xFFFFF086  }
0x1c: {  	p1 =	slt.u32 s9, $0xF7A;
	s5 =	simm.s32 @!p2 $0x0  }
0x1d: {  	s5 =	simm.s32 @p1 $0x1;
	p0 =	seq.s32 s7, s2  }
0x1e: {  	s7 =	smul.u32 @!p0 $0xF7A, s2;
	p2 =	seq.s32 @!p0 s5, $0x0  }
0x1f: {  	s9 =	smul.u32 $0xF7A, s1;
	s8 =	simm.s32 @!p0 $0x1BF5;
	p2 =	por !p2, p0  }
0x20: {  	[sflag:s8] =	ssyncset.s32 @!p0 $0xFFFFF086;
	s6 =	sadd.s32 @!p0 s3, s7;
	s7 =	simm.s32 @!p0 $0x108  }
0x21: {  	s3 =	sadd.s32 s3, s9;
	s6 =	sadd.s32 @!p0 $0x88, s6;
	s7 =	simm.s32 @p2 $0x1082  }
0x22: {  	[simem:s7], [sflag:s8] =	dma.local @!p0 [hbm:s6], $0xF7A  }
0x23: {  	s9 =	sor.u32 $0xD0000000, s2;
	s6 =	simm.s32 $0x108;
	_ =	swait.ge @!p0 [sflag:s8], $0x0  }
0x24: {  	s3 =	sadd.s32 $0x88, s3;
	s6 =	simm.s32 @!p1 $0x1082;
	[sflag:s4] =	ssyncset.s32 $0xFFFFF086  }
0x25: {  	[simem:s6], [sflag:s4] =	dma.local [hbm:s3], $0xF7A  }
0x26: {  	[smem:$0x3F9E] =	sst s1;
	(tag) =	ssettag s2;
	_ =	strace s9  }
0x27: {  	s1 =	sld [smem:$0x3FAE]  }
0x28: {  	s2 =	sld [smem:$0x3FAF]  }
0x29: {  	s4 =	sld [smem:$0x3FB1]  }
0x2a: {  	p0 =	seq.s32 s5, $0x0;
	s5 =	sld [smem:$0x3FB2]  }
0x2b: {  	s6 =	sld [smem:$0x3FB3]  }
0x2c: {  	s7 =	sld [smem:$0x3FB4]  }
0x2d: {  	s3 =	simm.s32 $0x108;
	s8 =	sld [smem:$0x3FB5]  }
0x2e: {  	s3 =	simm.s32 @!p0 $0x1082;
	s9 =	sld [smem:$0x3FB6]  }
0x2f: {  	lr =	sadd.s32 s0, s3;
	s0 =	sld [smem:$0x3FAD]  }
0x30: {  	s3 =	sld [smem:$0x3FB0]  }
0x31: {  	[smem:$0x3FB9] =	sst s10  }
0x32: {  	s10 =	sld [smem:$0x3FB7];
	_ =	sdelay $0x3  }
0x33: {  	p0 =	seq.s32 s10, $0x1;
	s10 =	sld [smem:$0x3FB9];
	_ =	sdelay $0x3  }
0x34: {  	[smem:$0x3FB9] =	sst s10  }
0x35: {  	s10 =	sld [smem:$0x3FB8];
	_ =	sdelay $0x3  }
0x36: {  	p1 =	seq.s32 s10, $0x1;
	s10 =	sld [smem:$0x3FB9];
	_ =	sdelay $0x3  }
0x37: {  	[smem:$0x3FB9] =	sst s10  }
0x38: {  	s10 =	sld [smem:$0x3FBA]  }
0x39: {  	_ = 	snop;
	(pc) =	sbr.ind lr, $3  }
0x3a: {  	_ = 	snop  }
0x3b: {  	_ = 	snop  }
0x3c: {  	p2 =	seq.s32 s10, $0x1;
	s10 =	sld [smem:$0x3FB9]  }
0x3d: {  	_ =	shalt  }
0x3e: {  	_ =	shalt  }
0x3f: {  	_ =	shalt  }
0x40: {  	_ =	shalt  }
0x41: {  	_ =	shalt  }
0x42: {  	_ =	shalt  }
0x43: {  	_ =	shalt  }
0x44: {  	_ =	shalt  }
0x45: {  	_ =	shalt  }
0x46: {  	_ =	shalt  }
0x47: {  	_ =	shalt  }
0x48: {  	_ =	shalt  }
0x49: {  	_ =	shalt  }
0x4a: {  	_ =	shalt  }
0x4b: {  	_ =	shalt  }
0x4c: {  	_ =	shalt  }
0x4d: {  	_ =	shalt  }
0x4e: {  	_ =	shalt  }
0x4f: {  	_ =	shalt  }
0x50: {  	_ =	shalt  }
0x51: {  	_ =	shalt  }
0x52: {  	_ =	shalt  }
0x53: {  	_ =	shalt  }
0x54: {  	_ =	shalt  }
0x55: {  	_ =	shalt  }
0x56: {  	_ =	shalt  }
0x57: {  	_ =	shalt  }
0x58: {  	_ =	shalt  }
0x59: {  	_ =	shalt  }
0x5a: {  	_ =	shalt  }
0x5b: {  	_ =	shalt  }
0x5c: {  	_ =	shalt  }
0x5d: {  	_ =	shalt  }
0x5e: {  	_ =	shalt  }
0x5f: {  	_ =	shalt  }
0x60: {  	_ =	shalt  }
0x61: {  	_ =	shalt  }
0x62: {  	_ =	shalt  }
0x63: {  	_ =	shalt  }
0x64: {  	_ =	shalt  }
0x65: {  	_ =	shalt  }
0x66: {  	_ =	shalt  }
0x67: {  	_ =	shalt  }
0x68: {  	_ =	shalt  }
0x69: {  	_ =	shalt  }
0x6a: {  	_ =	shalt  }
0x6b: {  	_ =	shalt  }
0x6c: {  	_ =	shalt  }
0x6d: {  	_ =	shalt  }
0x6e: {  	_ =	shalt  }
0x6f: {  	_ =	shalt  }
0x70: {  	_ =	shalt  }
0x71: {  	_ =	shalt  }
0x72: {  	_ =	shalt  }
0x73: {  	_ =	shalt  }
0x74: {  	_ =	shalt  }
0x75: {  	_ =	shalt  }
0x76: {  	_ =	shalt  }
0x77: {  	_ =	shalt  }
0x78: {  	_ =	shalt  }
0x79: {  	_ =	shalt  }
0x7a: {  	_ =	shalt  }
0x7b: {  	_ =	shalt  }
0x7c: {  	_ =	shalt  }
0x7d: {  	_ =	shalt  }
0x7e: {  	_ =	shalt  }
0x7f: {  	_ =	shalt  }
0x80: {  	_ =	shalt  }
0x81: {  	_ =	shalt  }
0x82: {  	_ =	shalt  }
0x83: {  	_ =	shalt  }
0x84: {  	_ =	shalt  }
0x85: {  	_ =	shalt  }
0x86: {  	_ =	shalt  }
0x87: {  	_ =	shalt  }
.Lfunc_end0:
.L_simem_size_0:
called_computation.1_lowered:
.L_overlay_start_0:
0x88: {  	s2 =	sld [smem:$0x3FD9]  }
0x89: {  	s3 =	sld [smem:$0x3FFE];
	_ =	sdelay $0x1  }
0x8a: {  	s1 =	srdreg.scid  }
0x8b: {  	s0 =	sand.u32 $0x1, s1  }
0x8c: {  	s17 =	sshll.u32 s0, $0xA;
	s2 =	sadd.s32 s3, s2  }
0x8d: {  	s2 =	sadd.s32 s2, s17  }
0x8e: {  	[smem:$0x3FC5] =	sst s2  }
0x8f: {  	_ = 	snop  }
0x90: {  	s2 =	sld [smem:$0x3FC9]  }
0x91: {  	s18 =	sld [smem:$0x3FD0];
	(tm) =	ssettm $0x1  }
0x92: {  	s4 =	sld [smem:$0x3FFB];
	_ =	sdelay $0x3  }
0x93: {  	_ =	strace s4  }
0x94: {  	s4 =	sld [smem:$0x3FFC];
	_ =	sdelay $0x3  }
0x95: {  	_ =	strace s4  }
0x96: {  	s4 =	sld [smem:$0x3FFD];
	_ =	sdelay $0x3  }
0x97: {  	_ =	strace s4  }
0x98: {  	_ =	strace $0x8FFFFFFF  }
0x99: {  	s19 =	sld [smem:$0x3FDB];
	_ =	sdelay $0x1  }
0x9a: {  	s5 =	simm.s32 $_scs_section_size  }
0x9b: {  	s6 =	simm.s32 $_size__tile_overlayer_lowered;
	s7 =	simm.s32 $_tile_overlayer_lowered  }
0x9c: {  	s22 =	simm.s32 $0x1BFF;
	s21 =	sshll.u32 s7, $0x1;
	s4 =	sadd.s32 s5, s19  }
0x9d: {  	s8 =	simm.s32 $0x0;
	s20 =	sshll.u32 s6, $0x1;
	s6 =	sadd.s32 s21, s4  }
0x9e: {  	[timem:s8], [sflag:s22] =	dma.local [hbm:s6], s20  }
0x9f: {  	_ =	swait.ge [sflag:s22], s20  }
0xa0: {  	s5 =	ssub.s32 $0x0, s20;
	[sflag:s22] =	ssyncset.done $0x0  }
0xa1: {  	[sflag:s22] =	ssyncadd.s32 s5;
	_ =	sdelay $0x1  }
0xa2: {  	s23 =	simm.s32 $0x1B8B  }
0xa3: {  	_ =	swait.ge [sflag:s23], $0x1  }
0xa4: {  	[sflag:s23] =	ssyncset.done $0x0  }
0xa5: {  	s25 =	simm.s32 $0x1B8E;
	s24 =	sld [smem:$0x3FFE];
	[sflag:s23] =	ssyncadd.s32 $0xFFFFFFFF  }
0xa6: {  	s26 =	simm.s32 $execute0_lowered;
	[smem:$0x3FD2] =	sst s25  }
0xa7: {  	s6 =	sshll.u32 s26, $0x1;
	_ =	strace $0x80000046;
	[dreg:$0x1] =	wrdreg $0xFFFFFFFF  }
0xa8: {  	s28 =	simm.s32 $_size_execute0_lowered;
	s4 =	sadd.s32 s4, s6;
	[dreg:$0x0] =	wrdreg $0x0  }
0xa9: {  	s6 =	sshll.u32 s28, $0x1;
	[dreg:$0x2] =	wrdreg s4  }
0xaa: {  	[dreg:$0x3] =	wrdreg s6  }
0xab: {  	[dreg:$0x4] =	wrdreg $0xC0  }
0xac: {  	_ =	task [dreg:s8], $0x5FFFF  }
0xad: {  	[dreg:$0x1] =	wrdreg $0xFFFFFFFF  }
0xae: {  	[dreg:$0x0] =	wrdreg $0x60  }
0xaf: {  	[dreg:$0x2] =	wrdreg s2  }
0xb0: {  	[dreg:$0x3] =	wrdreg s24  }
0xb1: {  	[dreg:$0x4] =	wrdreg s18  }
0xb2: {  	[dreg:$0x5] =	wrdreg $0x9  }
0xb3: {  	_ =	task.clear_ibuf [dreg:s8], $0x6FFFF;
	_ =	strace $0x90000046  }
0xb4: {  	s29 =	simm.s32 $0x9;
	_ =	strace $0x80000048  }
0xb5: {  	_ =	swait.ge [sflag:s29], $0x1  }
0xb6: {  	[sflag:s29] =	ssyncadd.s32 $0xFFFFFFFF  }
0xb7: {  	_ =	strace $0x90000048  }
0xb8: {  	_ =	sfence  }
0xb9: {  	s30 =	sld [smem:$0x0];
	_ =	sdelay $0x2  }
0xba: {  	s31 =	sshll.u32 s1, $0xD;
	s1 =	sshrl.u32 s1, $0x2  }
0xbb: {  	s3 =	sand.u32 $0x4000, s31;
	s1 =	sadd.s32 s1, s30  }
0xbc: {  	s0 =	sor.u32 s3, s0;
	s1 =	sshll.u32 s1, $0x11  }
0xbd: {  	s0 =	sor.u32 s1, s0  }
0xbe: {  	s0 =	sadd.s32 $0x8F2B, s0  }
0xbf: {  	[sflag:s0] =	ssyncadd.remote.s32 $0x1  }
0xc0: {  	_ =	sfence.sel $0xFFFF  }
0xc1: {  	[dreg:$0x0] =	wrdreg $0xFFFFFFFF;
	(pc) =	sbr.abs _section_cstart, $3  }
0xc2: {  	[dreg:$0x1] =	wrdreg $0xFFFFFFFF  }
0xc3: {  	_ =	task.clear_ibuf [dreg:s8], $0x2FFFF;
	_ =	strace $0x9FFFFFFF  }
0xc4: {  	(tm) =	ssettm $0x7FFFFFFF  }
0xc5: {  	_ =	shalt  }
tec
execute0_lowered:
.L_overlay_start_1:
0x0: {  	(tag) =	ssettag $0x1  }
0x1: {  	s1 =	rddreg [dreg:$0x0]  }
0x2: {  	s6 =	rddreg [dreg:$0x1]  }
0x3: {  	s2 =	rddreg [dreg:$0x2]  }
0x4: {  	s0 =	rddreg [dreg:$0x3];
	s3 =	simm.s32 $0x0;
	s4 =	srdreg.scid  }
0x5: {  	s11 =	simm.s32 $0x80;
	s12 =	simm.s32 $0x1;
	s13 =	simm.s32 $0x0  }
0x6: {  	[smem:$0x7FF] =	sst s3;
	s7 =	sand.u32 $0x1, s4;
	s5 =	sadd.s32 $0xA00, s6  }
0x7: {  	s4 =	stileid.u32;
	s6 =	sadd.s32 $0xF42E00, s6;
	s8 =	ssub.s32 $0x2, s7  }
0x8: {  	s10 =	sshll.u32 s4, $0xF;
	s7 =	sshll.u32 s7, $0xE;
	s9 =	sshrl.u32 s8, $0x1  }
0x9: {  	_ =	strace $0x80000047;
	s7 =	sor.u32 s7, s10;
	s8 =	ssub.s32 s8, s9  }
0xa: {  	s10 =	simm.s32 $0x2;
	s9 =	simm.s32 $0x2080;
	s8 =	smax.u32 s8, $0x1  }
.LBB2_1:
0xb: {  	[tilespmem:s9], [sflag:$0x2] =	stream.linear.gather [hbm4b:s5+s3], $0x2000, $0x38;
	[tilespmem:$0x4080] =	vst v63  }
0xc: {  	_ =	swait.ge [sflag:s10], $0x2000  }
0xd: {  	[sflag:s10] =	ssyncset.done $0x0  }
0xe: {  	s14 =	simm.s32 $0x0;
	[sflag:s10] =	ssyncadd.s32 $0xFFFFE000  }
.LBB2_2:
0xf: {  	s15 =	sshll.u32 s14, $0x7  }
0x10: {  	s15 =	sadd.s32 s7, s15  }
0x11: {  	s16 =	sshrl.u32 s15, $0x3  }
0x12: {  	s16 =	sadd.s32 s1, s16  }
0x13: {  	[tilespmem:s3], [sflag:$0x2] =	stream.linear.gather [hbm4b:s16+s3], $0x80, $0x38;
	[tilespmem:$0x4080] =	vst v63  }
0x14: {  	_ =	swait.ge [sflag:s10], $0x80  }
0x15: {  	[sflag:s10] =	ssyncset.done $0x0  }
0x16: {  	[sflag:s10] =	ssyncadd.s32 $0xFFFFFF80  }
0x17: {  	[tilespmem:s11], [sflag:$0x1] =	stream.indirect.gather [hbm4b:s6+s11], $0x40, s3, s11, $0xb8;
	[tilespmem:$0x4080] =	vst v63  }
0x18: {  	_ =	swait.ge [sflag:s12], $0x2000  }
0x19: {  	[sflag:s12] =	ssyncset.done $0x0  }
0x1a: {  	s16 =	simm.s32 $0x100;
	[sflag:s12] =	ssyncadd.s32 $0xFFFFE000  }
0x1b: {  	v0 =	vld [tilespmem:s16+$0x40]  }
0x1c: {  	s19 =	simm.s32 $0x2100;
	v1 =	vld [tilespmem:s16+$0xFFFFFFC0]  }
0x1d: {  	v2 =	vld [tilespmem:s19+$0x40]  }
0x1e: {  	v3 =	vld [tilespmem:s16+$0xFFFFFF80]  }
0x1f: {  	v4 =	vld [tilespmem:s16+$0x0]  }
0x20: {  	v5 =	vld [tilespmem:s19+$0xFFFFFF80]  }
0x21: {  	v6 =	vld [tilespmem:s19+$0xFFFFFFC0]  }
0x22: {  	v7 =	vld [tilespmem:s19+$0x0]  }
0x23: {  	s17 =	simm.s32 $0x200;
	v8 =	vld [tilespmem:s16+$0xFFFFFF90]  }
0x24: {  	s18 =	simm.s32 $0x2200;
	v10 =	vld [tilespmem:s17+$0xFFFFFFC0];
	v0 =	vmul.f32 $8.000000000e+00, v0  }
0x25: {  	v11 =	vld [tilespmem:s18+$0x40]  }
0x26: {  	v12 =	vld [tilespmem:s17+$0xFFFFFF80];
	v3 =	vmul.f32 $8.000000000e+00, v3;
	v1 =	vmul.f32 $8.000000000e+00, v1;
	v0 =	vadd.f32 v2, v0  }
0x27: {  	v2 =	vld [tilespmem:s16+$0x50]  }
0x28: {  	v3 =	vadd.f32 v5, v3;
	v1 =	vadd.f32 v6, v1;
	v5 =	vld [tilespmem:s16+$0xFFFFFFD0];
	[tilespmem:s16+$0x40] =	vst v0  }
0x29: {  	v4 =	vmul.f32 $8.000000000e+00, v4;
	v0 =	vld [tilespmem:s19+$0x50]  }
0x2a: {  	v6 =	vld [tilespmem:s16+$0x10];
	[tilespmem:s16+$0xFFFFFFC0] =	vst v1  }
0x2b: {  	[tilespmem:s16+$0xFFFFFF80] =	vst v3;
	v1 =	vadd.f32 v7, v4;
	v4 =	vld [tilespmem:s19+$0xFFFFFFD0]  }
0x2c: {  	v3 =	vld [tilespmem:s19+$0xFFFFFF90];
	v2 =	vmul.f32 $8.000000000e+00, v2  }
0x2d: {  	v13 =	vld [tilespmem:s17+$0x0];
	[tilespmem:s16+$0x0] =	vst v1  }
0x2e: {  	v5 =	vmul.f32 $8.000000000e+00, v5;
	v0 =	vadd.f32 v0, v2;
	v2 =	vmul.f32 $8.000000000e+00, v8;
	v8 =	vld [tilespmem:s19+$0x10]  }
0x2f: {  	v14 =	vld [tilespmem:s18+$0xFFFFFF80]  }
0x30: {  	v15 =	vld [tilespmem:s18+$0xFFFFFFC0];
	v4 =	vadd.f32 v4, v5  }
0x31: {  	v5 =	vmul.f32 $8.000000000e+00, v6;
	v2 =	vadd.f32 v3, v2;
	v3 =	vld [tilespmem:s16+$0xFFFFFFE0]  }
0x32: {  	v16 =	vld [tilespmem:s18+$0x0];
	[tilespmem:s16+$0xFFFFFFD0] =	vst v4  }
0x33: {  	v4 =	vadd.f32 v8, v5;
	v5 =	vld [tilespmem:s19+$0xFFFFFFE0]  }
0x34: {  	v17 =	vld [tilespmem:s17+$0xFFFFFF90]  }
0x35: {  	v54 =	vld [tilespmem:s17+$0xFFFFFFD0]  }
0x36: {  	v55 =	vld [tilespmem:s17+$0x10];
	v3 =	vmul.f32 $8.000000000e+00, v3  }
0x37: {  	v56 =	vld [tilespmem:s17+$0xFFFFFFA0];
	v12 =	vmul.f32 $8.000000000e+00, v12  }
0x38: {  	v57 =	vld [tilespmem:s17+$0x60];
	v13 =	vmul.f32 $8.000000000e+00, v13;
	v3 =	vadd.f32 v5, v3  }
0x39: {  	v60 =	vld [tilespmem:s17+$0xFFFFFFE0];
	v12 =	vadd.f32 v14, v12  }
0x3a: {  	v13 =	vadd.f32 v16, v13;
	[tilespmem:s16+$0xFFFFFFE0] =	vst v3;
	v3 =	vld [tilespmem:s17+$0x40]  }
0x3b: {  	v7 =	vld [tilespmem:s16+$0xFFFFFFA0];
	[tilespmem:s17+$0xFFFFFF80] =	vst v12  }
0x3c: {  	[tilespmem:s17+$0x0] =	vst v13;
	v12 =	vld [tilespmem:s18+$0xFFFFFF90]  }
0x3d: {  	v58 =	vld [tilespmem:s18+$0x10]  }
0x3e: {  	v1 =	vld [tilespmem:s16+$0x60]  }
0x3f: {  	v6 =	vld [tilespmem:s16+$0x20];
	[tilespmem:s16+$0x50] =	vst v0;
	v3 =	vmul.f32 $8.000000000e+00, v3  }
0x40: {  	v0 =	vld [tilespmem:s19+$0x60];
	[tilespmem:s16+$0xFFFFFF90] =	vst v2  }
0x41: {  	v2 =	vld [tilespmem:s19+$0xFFFFFFA0];
	v3 =	vadd.f32 v11, v3  }
0x42: {  	v11 =	vld [tilespmem:s17+$0x50]  }
0x43: {  	v1 =	vmul.f32 $8.000000000e+00, v1;
	v8 =	vld [tilespmem:s16+$0xFFFFFFB0];
	[tilespmem:s17+$0x40] =	vst v3  }
0x44: {  	v3 =	vmul.f32 $8.000000000e+00, v10;
	v10 =	vld [tilespmem:s18+$0x50]  }
0x45: {  	[tilespmem:s16+$0x10] =	vst v4;
	v4 =	vld [tilespmem:s16+$0x70];
	v0 =	vadd.f32 v0, v1;
	v1 =	vmul.f32 $8.000000000e+00, v7  }
0x46: {  	v7 =	vld [tilespmem:s19+$0x20];
	v3 =	vadd.f32 v15, v3  }
0x47: {  	v1 =	vadd.f32 v2, v1;
	v2 =	vld [tilespmem:s16+$0xFFFFFFF0];
	v11 =	vmul.f32 $8.000000000e+00, v11  }
0x48: {  	v5 =	vld [tilespmem:s16+$0x30];
	[tilespmem:s17+$0xFFFFFFC0] =	vst v3  }
0x49: {  	[tilespmem:s16+$0x60] =	vst v0;
	v3 =	vld [tilespmem:s18+$0xFFFFFFD0];
	v10 =	vadd.f32 v10, v11  }
0x4a: {  	v0 =	vld [tilespmem:s19+$0x70];
	[tilespmem:s16+$0xFFFFFFA0] =	vst v1  }
0x4b: {  	v1 =	vld [tilespmem:s19+$0xFFFFFFB0];
	v11 =	vmul.f32 $8.000000000e+00, v17;
	[tilespmem:s17+$0x50] =	vst v10  }
0x4c: {  	v10 =	vmul.f32 $8.000000000e+00, v54;
	v59 =	vld [tilespmem:s18+$0x60]  }
0x4d: {  	v9 =	vld [tilespmem:s19+$0xFFFFFFF0];
	v11 =	vadd.f32 v12, v11  }
0x4e: {  	v15 =	vmul.f32 $8.000000000e+00, v55;
	v3 =	vadd.f32 v3, v10;
	v10 =	vld [tilespmem:s17+$0x20]  }
0x4f: {  	v13 =	vmul.f32 $8.000000000e+00, v57;
	[tilespmem:s17+$0xFFFFFF90] =	vst v11;
	v11 =	vld [tilespmem:s17+$0xFFFFFFB0]  }
0x50: {  	v4 =	vmul.f32 $8.000000000e+00, v4;
	v61 =	vld [tilespmem:s18+$0xFFFFFFA0];
	[tilespmem:s17+$0xFFFFFFD0] =	vst v3;
	v3 =	vmul.f32 $8.000000000e+00, v6;
	v6 =	vadd.f32 v58, v15  }
0x51: {  	v62 =	vld [tilespmem:s18+$0xFFFFFFE0];
	v13 =	vadd.f32 v59, v13  }
0x52: {  	v0 =	vadd.f32 v0, v4;
	v3 =	vadd.f32 v7, v3;
	v7 =	vmul.f32 $8.000000000e+00, v8;
	[tilespmem:s17+$0x10] =	vst v6;
	v6 =	vld [tilespmem:s17+$0x70]  }
0x53: {  	v4 =	vmul.f32 $8.000000000e+00, v56;
	v8 =	vld [tilespmem:s18+$0x20];
	[tilespmem:s17+$0x60] =	vst v13  }
0x54: {  	[tilespmem:s16+$0x70] =	vst v0;
	v0 =	vmul.f32 $8.000000000e+00, v2;
	v1 =	vadd.f32 v1, v7;
	v7 =	vmul.f32 $8.000000000e+00, v60;
	v63 =	vld [tilespmem:s18+$0x70]  }
0x55: {  	[tilespmem:s16+$0x20] =	vst v3;
	v4 =	vadd.f32 v61, v4;
	v3 =	vld [tilespmem:s17+$0xFFFFFFF0]  }
0x56: {  	v2 =	vld [tilespmem:s17+$0x30];
	[tilespmem:s16+$0xFFFFFFB0] =	vst v1;
	v1 =	vadd.f32 v62, v7;
	v7 =	vadd.f32 v9, v0;
	v9 =	vmul.f32 $8.000000000e+00, v10  }
0x57: {  	[tilespmem:s17+$0xFFFFFFA0] =	vst v4;
	v4 =	vld [tilespmem:s19+$0x30];
	v10 =	vmul.f32 $8.000000000e+00, v6  }
0x58: {  	v0 =	vmul.f32 $8.000000000e+00, v5;
	v5 =	vld [tilespmem:s18+$0xFFFFFFB0];
	[tilespmem:s17+$0xFFFFFFE0] =	vst v1;
	v8 =	vadd.f32 v8, v9  }
0x59: {  	s21 =	simm.s32 $0x300;
	s20 =	simm.s32 $0x2200;
	s19 =	simm.s32 $0x4;
	[tilespmem:s16+$0xFFFFFFF0] =	vst v7;
	v1 =	vmul.f32 $8.000000000e+00, v11;
	v6 =	vld [tilespmem:s18+$0xFFFFFFF0];
	v7 =	vadd.f32 v63, v10  }
.LBB2_3:
0x5a: {  	v9 =	vld [tilespmem:s21+$0x40];
	s19 =	sadd.s32 $0x4, s19;
	v3 =	vmul.f32 $8.000000000e+00, v3;
	[tilespmem:s17+$0x20] =	vst v8  }
0x5b: {  	s18 =	sadd.s32 $0x100, s18;
	v8 =	vld [tilespmem:s21+$0xFFFFFFC0];
	p0 =	slt.u32 s19, $0x7C;
	v2 =	vmul.f32 $8.000000000e+00, v2;
	[tilespmem:s17+$0x70] =	vst v7  }
0x5c: {  	v7 =	vld [tilespmem:s18+$0x40];
	v4 =	vadd.f32 v4, v0  }
0x5d: {  	v10 =	vld [tilespmem:s21+$0x0];
	v1 =	vadd.f32 v5, v1;
	v0 =	vmov v2  }
0x5e: {  	v2 =	vld [tilespmem:s21+$0xFFFFFF80];
	v3 =	vadd.f32 v6, v3;
	[tilespmem:s16+$0x30] =	vst v4;
	s16 =	smov.u32 s17;
	s17 =	smov.u32 s21  }
0x5f: {  	v4 =	vld [tilespmem:s18+$0xFFFFFF80];
	v5 =	vmul.f32 $8.000000000e+00, v9;
	[tilespmem:s16+$0xFFFFFFB0] =	vst v1  }
0x60: {  	v1 =	vmul.f32 $8.000000000e+00, v8;
	v6 =	vld [tilespmem:s18+$0xFFFFFFC0];
	[tilespmem:s16+$0xFFFFFFF0] =	vst v3  }
0x61: {  	v3 =	vld [tilespmem:s18+$0x0];
	v5 =	vadd.f32 v7, v5  }
0x62: {  	v7 =	vmul.f32 $8.000000000e+00, v10;
	v8 =	vld [tilespmem:s21+$0x50]  }
0x63: {  	v2 =	vmul.f32 $8.000000000e+00, v2;
	v9 =	vld [tilespmem:s21+$0xFFFFFF90];
	[tilespmem:s21+$0x40] =	vst v5  }
0x64: {  	v5 =	vld [tilespmem:s18+$0x50]  }
0x65: {  	v2 =	vadd.f32 v4, v2;
	v1 =	vadd.f32 v6, v1;
	v4 =	vld [tilespmem:s21+$0xFFFFFFD0]  }
0x66: {  	v3 =	vadd.f32 v3, v7;
	v6 =	vld [tilespmem:s21+$0x10]  }
0x67: {  	[tilespmem:s21+$0xFFFFFF80] =	vst v2;
	v2 =	vld [tilespmem:s21+$0xFFFFFFA0];
	v7 =	vmul.f32 $8.000000000e+00, v8  }
0x68: {  	v8 =	vmul.f32 $8.000000000e+00, v9;
	v9 =	vld [tilespmem:s18+$0xFFFFFF90];
	[tilespmem:s21+$0xFFFFFFC0] =	vst v1  }
0x69: {  	v1 =	vld [tilespmem:s18+$0xFFFFFFD0];
	[tilespmem:s21+$0x0] =	vst v3;
	v3 =	vadd.f32 v5, v7  }
0x6a: {  	v4 =	vmul.f32 $8.000000000e+00, v4;
	v5 =	vld [tilespmem:s21+$0x60]  }
0x6b: {  	v6 =	vmul.f32 $8.000000000e+00, v6;
	v7 =	vld [tilespmem:s18+$0x10];
	[tilespmem:s21+$0x50] =	vst v3  }
0x6c: {  	v2 =	vmul.f32 $8.000000000e+00, v2;
	v3 =	vld [tilespmem:s18+$0x60]  }
0x6d: {  	v8 =	vadd.f32 v9, v8;
	v9 =	vld [tilespmem:s21+$0xFFFFFFE0]  }
0x6e: {  	v1 =	vadd.f32 v1, v4;
	v4 =	vld [tilespmem:s21+$0x20]  }
0x6f: {  	[tilespmem:s21+$0xFFFFFF90] =	vst v8;
	v8 =	vld [tilespmem:s21+$0xFFFFFFB0];
	v5 =	vmul.f32 $8.000000000e+00, v5  }
0x70: {  	v10 =	vld [tilespmem:s18+$0xFFFFFFA0];
	[tilespmem:s21+$0xFFFFFFD0] =	vst v1;
	v1 =	vadd.f32 v7, v6  }
0x71: {  	v6 =	vld [tilespmem:s18+$0xFFFFFFE0];
	v3 =	vadd.f32 v3, v5  }
0x72: {  	v5 =	vmul.f32 $8.000000000e+00, v9;
	[tilespmem:s21+$0x10] =	vst v1;
	v7 =	vld [tilespmem:s21+$0x70]  }
0x73: {  	v9 =	vmul.f32 $8.000000000e+00, v4;
	v11 =	vld [tilespmem:s18+$0x20];
	[tilespmem:s21+$0x60] =	vst v3  }
0x74: {  	v1 =	vmul.f32 $8.000000000e+00, v8;
	v12 =	vld [tilespmem:s18+$0x70]  }
.Ltmp0:
0x75: {  	v4 =	vadd.f32 v10, v2;
	v3 =	vld [tilespmem:s21+$0xFFFFFFF0];
	(pc) =	sbr.rel @p0 .LBB2_3-.Ltmp0, $4  }
0x76: {  	v6 =	vadd.f32 v6, v5;
	v2 =	vld [tilespmem:s21+$0x30]  }
0x77: {  	[tilespmem:s21+$0xFFFFFFA0] =	vst v4;
	v7 =	vmul.f32 $8.000000000e+00, v7;
	v4 =	vld [tilespmem:s20+$0x30];
	s20 =	smov.u32 s18  }
0x78: {  	v5 =	vld [tilespmem:s18+$0xFFFFFFB0];
	[tilespmem:s21+$0xFFFFFFE0] =	vst v6;
	v8 =	vadd.f32 v11, v9  }
0x79: {  	s21 =	sadd.s32 $0x100, s21;
	v6 =	vld [tilespmem:s18+$0xFFFFFFF0];
	v7 =	vadd.f32 v12, v7  }
0x7a: {  	[tilespmem:s17+$0x20] =	vst v8  }
0x7b: {  	v8 =	vld [tilespmem:s20+$0x30];
	_ =	sdelay $0x1  }
0x7c: {  	v3 =	vmul.f32 $8.000000000e+00, v3;
	v0 =	vadd.f32 v4, v0  }
0x7d: {  	v2 =	vmul.f32 $8.000000000e+00, v2;
	[tilespmem:s17+$0x70] =	vst v7;
	v1 =	vadd.f32 v5, v1  }
0x7e: {  	v3 =	vadd.f32 v6, v3;
	[tilespmem:s16+$0x30] =	vst v0  }
0x7f: {  	s14 =	sadd.s32 $0x1, s14;
	[tilespmem:s17+$0xFFFFFFB0] =	vst v1;
	v63 =	vadd.f32 v8, v2  }
0x80: {  	s15 =	sshll.u32 s15, $0x3;
	p0 =	sne.s32 s14, $0x80;
	[tilespmem:s17+$0xFFFFFFF0] =	vst v3  }
.Ltmp1:
0x81: {  	s15 =	sadd.s32 s2, s15;
	[tilespmem:s17+$0x30] =	vst v63;
	(pc) =	sbr.rel @p0 .LBB2_2-.Ltmp1, $4  }
0x82: {  	[hbm4b:s15+s3] =	stream.linear.scatter [tilespmem:s11], [sflag:$0x2], $0x2000, $0x38;
	[tilespmem:$0x4080] =	vst v63  }
0x83: {  	_ =	swait.ge [sflag:s10], $0x2000  }
0x84: {  	[sflag:s10] =	ssyncset.done $0x0  }
0x85: {  	[sflag:s10] =	ssyncadd.s32 $0xFFFFE000  }
0x86: {  	s13 =	sadd.s32 $0x1, s13  }
0x87: {  	p0 =	sne.s32 s13, s8  }
.Ltmp2:
0x88: {  	_ = 	snop;
	(pc) =	sbr.rel @p0 .LBB2_1-.Ltmp2, $1  }
0x89: {  	_ =	sdelay $0x3  }
0x8a: {  	_ =	sfence.sel $0x180000  }
0x8b: {  	[bflag:$0x0] =	sbarrier.arrive $0xFFFF  }
0x8c: {  	p0 =	sne.s32 s4, $0x0;
	_ =	strace $0x90000047  }
0x8d: {  	s0 =	sadd.s32 @!p0 $0x100000, s0;
	[bflag:$0x2] =	sbarrier.arrive $0xFFFF  }
0x8e: {  	[sflag:s0] =	ssyncadd.tile.s32 @!p0 $0x1;
	_ =	shalt  }
.Lfunc_end2:
_tile_overlayer_lowered:
.L_overlay_start_2:
0x8f: {  	(tag) =	ssettag $0x2  }
0x90: {  	s0 =	rddreg [dreg:$0x0];
	s2 =	stileid.u32  }
0x91: {  	s1 =	rddreg [dreg:$0x1];
	p0 =	sne.s32 s2, $0x0  }
0x92: {  	s3 =	rddreg [dreg:$0x2];
	[bflag:$0x3] =	sbarrier.arrive $0xFFFF;
	s2 =	simm.s32 @!p0 $0x1C02  }
0x93: {  	[timem:s3], [sflag:s2] =	dma.local @!p0 [hbm:s0], s1  }
0x94: {  	s0 =	simm.s32 @!p0 $0x2  }
0x95: {  	_ =	swait.ge @!p0 [sflag:s0], s1  }
0x96: {  	s1 =	ssub.s32 @!p0 $0x0, s1;
	[sflag:s0] =	ssyncset.done @!p0 $0x0  }
0x97: {  	[sflag:s0] =	ssyncadd.s32 @!p0 s1  }
0x98: {  	[bflag:$0x3] =	sbarrier.arrive $0xFFFF  }
0x99: {  	_ =	shalt  }

// kernel: sparse-core-data-format-call.cloned.1.call-start
scs
called_computation_lowered:
.L_overlay_start_0:
0x0: {  	s2 =	sld [smem:$0x3FD9]  }
0x1: {  	s3 =	sld [smem:$0x3FFE];
	_ =	sdelay $0x1  }
0x2: {  	s1 =	srdreg.scid  }
0x3: {  	s0 =	sand.u32 $0x1, s1  }
0x4: {  	s18 =	sshll.u32 s0, $0xA;
	s2 =	sadd.s32 s3, s2  }
0x5: {  	s2 =	sadd.s32 s2, s18  }
0x6: {  	[smem:$0x3FC5] =	sst s2  }
0x7: {  	_ = 	snop  }
0x8: {  	s2 =	sld [smem:$0x3FD0];
	(tm) =	ssettm $0x1  }
0x9: {  	s19 =	sld [smem:$0x3FFB];
	_ =	sdelay $0x3  }
0xa: {  	_ =	strace s19  }
0xb: {  	s3 =	sld [smem:$0x3FFC];
	_ =	sdelay $0x3  }
0xc: {  	_ =	strace s3  }
0xd: {  	s3 =	sld [smem:$0x3FFD];
	_ =	sdelay $0x3  }
0xe: {  	_ =	strace s3  }
0xf: {  	_ =	strace $0x8FFFFFFF  }
0x10: {  	s20 =	sld [smem:$0x3FDB];
	_ =	sdelay $0x1  }
0x11: {  	s4 =	simm.s32 $_scs_section_size  }
0x12: {  	s5 =	simm.s32 $_size__tile_overlayer_lowered;
	s6 =	simm.s32 $_tile_overlayer_lowered  }
0x13: {  	s23 =	simm.s32 $0x1BFF;
	s22 =	sshll.u32 s6, $0x1;
	s3 =	sadd.s32 s4, s20  }
0x14: {  	s7 =	simm.s32 $0x0;
	s21 =	sshll.u32 s5, $0x1;
	s5 =	sadd.s32 s22, s3  }
0x15: {  	[timem:s7], [sflag:s23] =	dma.local [hbm:s5], s21  }
0x16: {  	_ =	swait.ge [sflag:s23], s21  }
0x17: {  	s4 =	ssub.s32 $0x0, s21;
	[sflag:s23] =	ssyncset.done $0x0  }
0x18: {  	[sflag:s23] =	ssyncadd.s32 s4;
	_ =	sdelay $0x1  }
0x19: {  	s24 =	simm.s32 $0x1B8B  }
0x1a: {  	_ =	swait.ge [sflag:s24], $0x1  }
0x1b: {  	[sflag:s24] =	ssyncset.done $0x0  }
0x1c: {  	s26 =	simm.s32 $0x1B8E;
	s25 =	sld [smem:$0x3FFE];
	[sflag:s24] =	ssyncadd.s32 $0xFFFFFFFF  }
0x1d: {  	s27 =	simm.s32 $execute0_lowered;
	[smem:$0x3FD2] =	sst s26  }
0x1e: {  	s5 =	sshll.u32 s27, $0x1;
	_ =	strace $0x80000049;
	[dreg:$0x1] =	wrdreg $0xFFFFFFFF  }
0x1f: {  	s28 =	simm.s32 $_size_execute0_lowered;
	s3 =	sadd.s32 s3, s5;
	[dreg:$0x0] =	wrdreg $0x0  }
0x20: {  	s5 =	sshll.u32 s28, $0x1;
	[dreg:$0x2] =	wrdreg s3  }
0x21: {  	[dreg:$0x3] =	wrdreg s5  }
0x22: {  	[dreg:$0x4] =	wrdreg $0xC0  }
0x23: {  	_ =	task [dreg:s7], $0x5FFFF  }
0x24: {  	[dreg:$0x1] =	wrdreg $0xFFFFFFFF  }
0x25: {  	[dreg:$0x0] =	wrdreg $0x60  }
0x26: {  	[dreg:$0x2] =	wrdreg s25  }
0x27: {  	[dreg:$0x3] =	wrdreg s2  }
0x28: {  	[dreg:$0x4] =	wrdreg $0x9  }
0x29: {  	_ =	task.clear_ibuf [dreg:s7], $0x5FFFF;
	_ =	strace $0x90000049  }
0x2a: {  	s29 =	simm.s32 $0x9;
	_ =	strace $0x8000004B  }
0x2b: {  	_ =	swait.ge [sflag:s29], $0x1  }
0x2c: {  	[sflag:s29] =	ssyncadd.s32 $0xFFFFFFFF  }
0x2d: {  	_ =	strace $0x9000004B  }
0x2e: {  	_ =	sfence  }
0x2f: {  	s30 =	sld [smem:$0x0];
	_ =	sdelay $0x2  }
0x30: {  	s31 =	sshll.u32 s1, $0xD;
	s1 =	sshrl.u32 s1, $0x2  }
0x31: {  	s3 =	sand.u32 $0x4000, s31;
	s1 =	sadd.s32 s1, s30  }
0x32: {  	s0 =	sor.u32 s3, s0;
	s1 =	sshll.u32 s1, $0x11  }
0x33: {  	s0 =	sor.u32 s1, s0  }
0x34: {  	s0 =	sadd.s32 $0x8F2B, s0  }
0x35: {  	[sflag:s0] =	ssyncadd.remote.s32 $0x1  }
0x36: {  	_ =	sfence.sel $0xFFFF  }
0x37: {  	[dreg:$0x0] =	wrdreg $0xFFFFFFFF;
	(pc) =	sbr.abs _section_cstart, $3  }
0x38: {  	[dreg:$0x1] =	wrdreg $0xFFFFFFFF  }
0x39: {  	_ =	task.clear_ibuf [dreg:s7], $0x2FFFF;
	_ =	strace $0x9FFFFFFF  }
0x3a: {  	(tm) =	ssettm $0x7FFFFFFF  }
0x3b: {  	_ =	shalt  }
tec
execute0_lowered:
.L_overlay_start_1:
0x0: {  	(tag) =	ssettag $0x1  }
0x1: {  	s0 =	srdreg.scid  }
0x2: {  	s1 =	sshll.u32 s0, $0x4  }
0x3: {  	s4 =	rddreg [dreg:$0x0];
	s0 =	stileid.u32;
	s1 =	sand.u32 $0x10, s1  }
0x4: {  	s2 =	rddreg [dreg:$0x1];
	s7 =	simm.s32 $0x1;
	s1 =	sor.u32 s0, s1  }
0x5: {  	s8 =	simm.s32 $0x2;
	s11 =	simm.s32 $0x0;
	s3 =	sshll.u32 s1, $0x7  }
0x6: {  	s10 =	simm.s32 $0x0;
	s4 =	sadd.s32 $0xA00, s4;
	s6 =	ssub.s32 $0x80000, s3  }
.Ltmp0:
0x7: {  	s1 =	rddreg [dreg:$0x2];
	s5 =	sand.u32 $0xF80, s6;
	(pc) =	sbr.rel .LBB1_1-.Ltmp0, $4  }
0x8: {  	_ =	strace $0x8000004A;
	s9 =	smov.u32 s3;
	p0 =	sne.s32 s5, $0x0  }
0x9: {  	s6 =	sshrl.u32 s6, $0xC;
	s5 =	simm.s32 $0x1;
	s7 =	simm.s32 @!p0 $0x0  }
0xa: {  	[sflag:s5] =	ssyncpa.u1 $0x0;
	p0 =	por $0x0, $0x0;
	s6 =	sadd.s32 s7, s6  }
0xb: {  	[sflag:s8] =	ssyncpa.u1 $0x0;
	s8 =	simm.s32 $0x400000;
	s7 =	sadd.s32 $0x1, s6  }
.LBB1_4:
0xc: {  	s14 =	sshll.u32 s11, $0x3  }
0xd: {  	s15 =	sand.u32 $0x78, s11;
	s14 =	sand.u32 $0x7FC00, s14  }
0xe: {  	[tilespmem:s13+$0x810 ss:$0x81] =	vst.msk $0xffff, v2;
	s29 =	sand.u32 $0x3F0000, s11;
	s30 =	sand.u32 $0x7, s11;
	s14 =	sor.u32 s15, s14  }
0xf: {  	[tilespmem:s13+$0x1020 ss:$0x81] =	vst.msk $0xffff, v0;
	s11 =	sshll.u32 s30, $0x12;
	s15 =	sadd.s32 s2, s29;
	s14 =	sshrl.u32 s14, $0x3  }
0x10: {  	[tilespmem:s13+$0x0 ss:$0x81] =	vst.msk $0xffff, v1;
	s11 =	sor.u32 $0x400, s11;
	s31 =	sadd.s32 s14, s15  }
0x11: {  	[hbm4b:s31+s11] =	stream.strided.scatter [tilespmem:s12], [sflag:$0x2], $0x2000, s8, s11, $0x20;
	[tilespmem:$0x8080] =	vst v63  }
.LBB1_5:
0x12: {  	s13 =	sadd.s32 $0x1000, s9  }
0x13: {  	p2 =	sgt.s32 s13, $0x7FFFF  }
0x14: {  	s13 =	smov.u32 @p2 s3;
	p2 =	sne.s32 s10, s7  }
.Ltmp1:
0x15: {  	p1 =	slt.u32 s10, $0x2;
	(pc) =	sbr.rel @!p2 .LBB1_6-.Ltmp1, $4  }
0x16: {  	s12 =	simm.s32 @!p1 $0x2  }
0x17: {  	s14 =	sadd.s32 $0x1, s10;
	_ =	swait.ge @!p1 [sflag:s12], $0x2000  }
0x18: {  	s11 =	smov.u32 s9;
	p0 =	por !p0, !p0;
	[sflag:s12] =	ssyncset.done @!p1 $0x0  }
0x19: {  	s10 =	smov.u32 s14;
	s9 =	smov.u32 s13;
	[sflag:s12] =	ssyncadd.s32 @!p1 $0xFFFFE000  }
.LBB1_1:
0x1a: {  	p1 =	sge.u32 s10, s6  }
0x1b: {  	s31 =	sadd.s32 $0xFFFFFFFF, s10;
	s12 =	sxor.u32 @!p1 $0xFFFFFFFF, s10;
	s13 =	sshll.u32 @!p1 s9, $0x4  }
0x1c: {  	s14 =	simm.s32 @!p1 $0x40;
	s12 =	sshll.u32 @!p1 s12, $0xD;
	s13 =	sand.u32 @!p1 $0x7FFFF0, s13  }
0x1d: {  	s15 =	simm.s32 @!p1 $0x80;
	s12 =	sand.u32 @!p1 $0x2000, s12;
	s13 =	sadd.s32 @!p1 s4, s13  }
0x1e: {  	[tilespmem:s12], [sflag:$0x1] =	stream.strided.gather @!p1 [hbm4b:s13+s14], $0x2000, s15, s14, $0x38;
	[tilespmem:$0x8080] =	vst v63  }
0x1f: {  	p1 =	sge.u32 s31, s6  }
.Ltmp2:
0x20: {  	_ = 	snop;
	(pc) =	sbr.rel @p1 .LBB1_5-.Ltmp2, $1  }
0x21: {  	_ =	sdelay $0x3  }
0x22: {  	s12 =	simm.s32 $0x1  }
0x23: {  	_ =	swait.ge [sflag:s5], $0x2000;
	s12 =	simm.s32 @!p0 $0x0  }
0x24: {  	[sflag:s5] =	ssyncset.done $0x0;
	s13 =	sshll.u32 s12, $0xD  }
0x25: {  	[sflag:s5] =	ssyncadd.s32 $0xFFFFE000;
	s16 =	sor.u32 $0x20, s13  }
0x26: {  	s12 =	smul.u32 $0x8100, s12;
	v3 =	vld [tilespmem:s16+$0x10]  }
0x27: {  	s30 =	sand.u32 $0x1, s10;
	v2 =	vld [tilespmem:s16+$0xFFFFFFF0]  }
0x28: {  	s13 =	smul.u32 $0x8100, s30;
	s12 =	sshrl.u32 s12, $0x2;
	v0 =	vld [tilespmem:s16+$0x0]  }
0x29: {  	v1 =	vld [tilespmem:s16+$0xFFFFFFE0];
	s14 =	sor.u32 $0x4000, s12  }
0x2a: {  	s31 =	sshrl.u32 s13, $0x2;
	s13 =	sadd.s32 $0x0, s14  }
0x2b: {  	s15 =	simm.s32 $0x4;
	s16 =	sadd.s32 $0x40, s16;
	s12 =	sor.u32 $0x4000, s31;
	[tilespmem:s13+$0x1830 ss:$0x81] =	vst.msk $0xffff, v3  }
.LBB1_3:
0x2c: {  	v3 =	vld [tilespmem:s16+$0x10];
	p1 =	sne.s32 s15, $0x1FC;
	[tilespmem:s13+$0x810 ss:$0x81] =	vst.msk $0xffff, v2;
	s17 =	smov.u32 s15;
	s15 =	sadd.s32 $0x4, s15  }
.Ltmp3:
0x2d: {  	v2 =	vld [tilespmem:s16+$0xFFFFFFF0];
	[tilespmem:s13+$0x1020 ss:$0x81] =	vst.msk $0xffff, v0;
	(pc) =	sbr.rel @p1 .LBB1_3-.Ltmp3, $4  }
0x2e: {  	v0 =	vld [tilespmem:s16+$0x0];
	[tilespmem:s13+$0x0 ss:$0x81] =	vst.msk $0xffff, v1  }
0x2f: {  	s13 =	sshra.s32 s17, $0x2;
	v1 =	vld [tilespmem:s16+$0xFFFFFFE0]  }
0x30: {  	s13 =	sadd.s32 s13, s14  }
0x31: {  	s16 =	sadd.s32 $0x40, s16;
	[tilespmem:s13+$0x1830 ss:$0x81] =	vst.msk $0xffff, v3  }
.Ltmp4:
0x32: {  	_ = 	snop;
	(pc) =	sbr.rel .LBB1_4-.Ltmp4, $1  }
0x33: {  	_ =	sdelay $0x3  }
.LBB1_6:
0x34: {  	_ =	sfence.sel $0x180000  }
0x35: {  	s2 =	simm.s32 $0x1;
	[bflag:$0x0] =	sbarrier.arrive $0xFFFF  }
0x36: {  	s31 =	simm.s32 $0x2;
	[sflag:s2] =	ssyncpa.u1 $0x1  }
0x37: {  	[sflag:s31] =	ssyncpa.u1 $0x1  }
0x38: {  	p0 =	sne.s32 s0, $0x0;
	_ =	strace $0x9000004A  }
0x39: {  	s0 =	sadd.s32 @!p0 $0x100000, s1;
	[bflag:$0x2] =	sbarrier.arrive $0xFFFF  }
0x3a: {  	[sflag:s0] =	ssyncadd.tile.s32 @!p0 $0x1;
	_ =	shalt  }
.Lfunc_end1:
_tile_overlayer_lowered:
.L_overlay_start_2:
0x3b: {  	(tag) =	ssettag $0x2  }
0x3c: {  	s0 =	rddreg [dreg:$0x0];
	s2 =	stileid.u32  }
0x3d: {  	s1 =	rddreg [dreg:$0x1];
	p0 =	sne.s32 s2, $0x0  }
0x3e: {  	s3 =	rddreg [dreg:$0x2];
	[bflag:$0x3] =	sbarrier.arrive $0xFFFF;
	s2 =	simm.s32 @!p0 $0x1C01  }
0x3f: {  	[timem:s3], [sflag:s2] =	dma.local @!p0 [hbm:s0], s1  }
0x40: {  	s0 =	simm.s32 @!p0 $0x1  }
0x41: {  	_ =	swait.ge @!p0 [sflag:s0], s1  }
0x42: {  	s1 =	ssub.s32 @!p0 $0x0, s1;
	[sflag:s0] =	ssyncset.done @!p0 $0x0  }
0x43: {  	[sflag:s0] =	ssyncadd.s32 @!p0 s1  }
0x44: {  	[bflag:$0x3] =	sbarrier.arrive $0xFFFF  }
0x45: {  	_ =	shalt  }

</sc_bundles>
